<compile_context>
chip_gen: v7x
topology: tpu7x:2x2x1
jax: 0.10.2.dev20260603
libtpu: 0.0.44.dev20260713+nightly
codegen_flags: <defaults>
</compile_context>

<pallas_src>
import functools

import jax
import jax.numpy as jnp
from jax import lax
from jax.experimental import pallas as pl
from jax.experimental.pallas import tpu as pltpu
from jax.experimental.pallas import tpu_sc as plsc

_B = 64
_T = 128
_D = 768
_NB = _B * _T
_NC = 2
_NS = 16
_NW = _NC * _NS
_B_PER_W = _NB // _NW
_CHUNK = 64
_NCHUNK = _B_PER_W // _CHUNK
_ROWS_PER_W = _B_PER_W // _T


@functools.partial(
    pl.kernel,
    mesh=plsc.VectorSubcoreMesh(core_axis_name="c", subcore_axis_name="s"),
    out_type=jax.ShapeDtypeStruct((_NB, _D), jnp.float32),
    scratch_types=[
        pltpu.VMEM((_ROWS_PER_W, _T), jnp.int32),
        pltpu.VMEM((_CHUNK, _D), jnp.float32),
        pltpu.VMEM((_CHUNK, _D), jnp.float32),
        pltpu.SemaphoreType.DMA,
        pltpu.SemaphoreType.DMA,
    ],
)
def _gather_rows(table_hbm, idx_hbm, out_hbm, idx_v, buf0, buf1, sem0, sem1):
    wid = lax.axis_index("s") * _NC + lax.axis_index("c")
    base = wid * _B_PER_W
    for r in range(_ROWS_PER_W):
        pltpu.sync_copy(idx_hbm.at[wid * _ROWS_PER_W + r], idx_v.at[r])

    bufs = (buf0, buf1)
    sems = (sem0, sem1)

    def start(row, b):
        idx_slice = idx_v.at[row, pl.ds(b * _CHUNK, _CHUNK)]
        return pltpu.async_copy(table_hbm.at[idx_slice], bufs[b], sems[b])

    def wait(b):
        pltpu.make_async_copy(
            table_hbm.at[pl.ds(0, _CHUNK)], bufs[b], sems[b]
        ).wait()

    start(0, 0)
    start(0, 1)

    def body(g, carry):
        for b in range(2):
            wait(b)
            pltpu.sync_copy(
                bufs[b],
                out_hbm.at[pl.ds(base + (2 * g + b) * _CHUNK, _CHUNK)],
            )

            @pl.when(g + 1 < _ROWS_PER_W)
            def _():
                start(g + 1, b)

        return carry

    lax.fori_loop(0, _ROWS_PER_W, body, 0)


def kernel(time_series_data, input_ids, word_embedding, pred_len=96, seq_len=512):
    flat = _gather_rows(word_embedding, input_ids)
    table_out = word_embedding + word_embedding * 0.0
    return (table_out, flat.reshape(_B, _T, _D))

# --- scband reference (transcript-rebuilt; emitter-appended) ---
"""Pipeline reference for scband-time-llm-9698036154831 (READ-ONLY COPY).

The authoritative reference and input builder live on the scoring server;
editing this copy changes nothing except your own understanding.
"""

import jax, jax.numpy as jnp
import numpy as np

VOCAB = 50257
D_WORD = 768
B = 64
L = 512
T_PROMPT = 128


def calculate_lags(x_enc, top_k):
    # x_enc: [B, L, C] -> permute to [B, C, L]
    xp = jnp.transpose(x_enc, (0, 2, 1))
    q_fft = jnp.fft.rfft(xp, axis=-1)
    k_fft = jnp.fft.rfft(xp, axis=-1)
    res = q_fft * jnp.conj(k_fft)
    corr = jnp.fft.irfft(res, axis=-1)
    mean_value = jnp.mean(corr, axis=1)
    _, lags = jax.lax.top_k(mean_value, top_k)
    return lags


def setup_inputs(seed: int = 0) -> dict:
    key = jax.random.key(seed)
    k1, k2, k3 = jax.random.split(key, 3)
    time_series_data = jax.random.normal(k1, (B, L, 1), dtype=jnp.float32)
    # tokenized prompt ids stand in for tokenizer(prompts)['input_ids']
    input_ids = jax.random.randint(k2, (B, T_PROMPT), 0, VOCAB, dtype=jnp.int32)
    # GPT-2 input embedding table (wte.weight)
    word_embedding = jax.random.normal(k3, (VOCAB, D_WORD), dtype=jnp.float32) * 0.02
    return {
        "time_series_data": time_series_data,
        "input_ids": input_ids,
        "word_embedding": word_embedding,
        "pred_len": 96,
        "seq_len": L,
    }


def reference(time_series_data, input_ids, word_embedding, pred_len=96, seq_len=512):
    x = time_series_data
    # statistics used to build the text prompt (generate_time_series_prompt)
    min_values = jnp.min(x, axis=1)
    max_values = jnp.max(x, axis=1)
    medians = jnp.median(x, axis=1)
    lags = calculate_lags(x, 5)
    trends = jnp.sum(jnp.diff(x, axis=1), axis=1)
    # string formatting + GPT2 tokenizer is a host-side op; the resulting token
    # ids are supplied directly as input_ids. The core device computation is the
    # embedding lookup into the GPT-2 word embedding table:
    prompt_embeddings = jnp.take(word_embedding, input_ids, axis=0)
    return (word_embedding, prompt_embeddings)

if __name__ == "__main__":
    import jax
    _d = setup_inputs()
    print(jax.jit(kernel)(*tuple(_d.values())))

</pallas_src>

<mosaic_0001>
#map = affine_map<(d0, d1) -> (0, 0)>
module attributes {stable_mosaic.version = 14 : i64} {
  func.func @_gather_rows(%arg0: i32, %arg1: i32, %arg2: memref<50257x768xf32, #tpu.memory_space<hbm>>, %arg3: memref<64x128xi32, #tpu.memory_space<hbm>>, %arg4: memref<8192x768xf32, #tpu.memory_space<hbm>>, %arg5: memref<2x128xi32, #tpu.memory_space<vmem>>, %arg6: memref<64x768xf32, #tpu.memory_space<vmem>>, %arg7: memref<64x768xf32, #tpu.memory_space<vmem>>, %arg8: memref<!tpu.dma_semaphore, #tpu.memory_space<semaphore_mem>>, %arg9: memref<!tpu.dma_semaphore, #tpu.memory_space<semaphore_mem>>) attributes {dimension_semantics = [#tpu.dimension_semantics<core_parallel>, #tpu.dimension_semantics<subcore_parallel>], iteration_bounds = array<i64: 2, 16>, scalar_prefetch = 0 : i64, scratch_operands = 5 : i64, tpu.core_type = #tpu.core_type<sc_vector_subcore>, window_params = [{transform_indices = #map}, {transform_indices = #map}, {transform_indices = #map}]} {
    %mul3A = arith.constant 2 : i32
    %mul3A_0 = arith.muli %arg1, %mul3A : i32
    %add3A = arith.addi %mul3A_0, %arg0 : i32
    %mul3A_1 = arith.constant 256 : i32
    %mul3A_2 = arith.muli %add3A, %mul3A_1 : i32
    %mul3A_3 = arith.constant 2 : i32
    %mul3A_4 = arith.muli %add3A, %mul3A_3 : i32
    %add3A_5 = arith.constant 0 : i32
    %add3A_6 = arith.addi %mul3A_4, %add3A_5 : i32
    %run_scoped3A = arith.constant 0 : i32
    "tpu.region"() ({
      %run_scoped3A_30 = tpu.sem_alloc : memref<!tpu.dma_semaphore, #tpu.memory_space<semaphore_mem>>
      %dma_start3A_31 = arith.constant 0 : i32
      %dma_start3A_32 = tpu.memref_slice %arg5[%run_scoped3A, %dma_start3A_31] : memref<2x128xi32, #tpu.memory_space<vmem>> -> memref<1x128xi32, #tpu.memory_space<vmem>>
      %dma_start3A_33 = tpu.memref_squeeze %dma_start3A_32 : memref<1x128xi32, #tpu.memory_space<vmem>> -> memref<128xi32, #tpu.memory_space<vmem>>
      %dma_start3A_34 = arith.constant 0 : i32
      %dma_start3A_35 = tpu.memref_slice %arg3[%add3A_6, %dma_start3A_34] : memref<64x128xi32, #tpu.memory_space<hbm>> -> memref<1x128xi32, #tpu.memory_space<hbm>>
      %dma_start3A_36 = tpu.memref_squeeze %dma_start3A_35 : memref<1x128xi32, #tpu.memory_space<hbm>> -> memref<128xi32, #tpu.memory_space<hbm>>
      %dma_start3A_37 = arith.constant 0 : i32
      %dma_start3A_38 = tpu.memref_slice %arg5[%run_scoped3A, %dma_start3A_37] : memref<2x128xi32, #tpu.memory_space<vmem>> -> memref<1x128xi32, #tpu.memory_space<vmem>>
      %dma_start3A_39 = tpu.memref_squeeze %dma_start3A_38 : memref<1x128xi32, #tpu.memory_space<vmem>> -> memref<128xi32, #tpu.memory_space<vmem>>
      %dma_start3A_40 = arith.constant 0 : i32
      %dma_start3A_41 = tpu.memref_slice %arg3[%add3A_6, %dma_start3A_40] : memref<64x128xi32, #tpu.memory_space<hbm>> -> memref<1x128xi32, #tpu.memory_space<hbm>>
      %dma_start3A_42 = tpu.memref_squeeze %dma_start3A_41 : memref<1x128xi32, #tpu.memory_space<hbm>> -> memref<128xi32, #tpu.memory_space<hbm>>
      tpu.enqueue_dma source(%dma_start3A_42 : memref<128xi32, #tpu.memory_space<hbm>>) target(%dma_start3A_39 : memref<128xi32, #tpu.memory_space<vmem>>) target_semaphore(%run_scoped3A_30 : memref<!tpu.dma_semaphore, #tpu.memory_space<semaphore_mem>>)
      %dma_wait3A = arith.constant 0 : i32
      %dma_wait3A_43 = tpu.memref_slice %arg5[%run_scoped3A, %dma_wait3A] : memref<2x128xi32, #tpu.memory_space<vmem>> -> memref<1x128xi32, #tpu.memory_space<vmem>>
      %dma_wait3A_44 = tpu.memref_squeeze %dma_wait3A_43 : memref<1x128xi32, #tpu.memory_space<vmem>> -> memref<128xi32, #tpu.memory_space<vmem>>
      %dma_wait3A_45 = arith.constant 0 : i32
      %dma_wait3A_46 = tpu.memref_slice %arg3[%add3A_6, %dma_wait3A_45] : memref<64x128xi32, #tpu.memory_space<hbm>> -> memref<1x128xi32, #tpu.memory_space<hbm>>
      %dma_wait3A_47 = tpu.memref_squeeze %dma_wait3A_46 : memref<1x128xi32, #tpu.memory_space<hbm>> -> memref<128xi32, #tpu.memory_space<hbm>>
      %dma_wait3A_48 = arith.constant 0 : i32
      %dma_wait3A_49 = tpu.memref_slice %arg5[%run_scoped3A, %dma_wait3A_48] : memref<2x128xi32, #tpu.memory_space<vmem>> -> memref<1x128xi32, #tpu.memory_space<vmem>>
      %dma_wait3A_50 = tpu.memref_squeeze %dma_wait3A_49 : memref<1x128xi32, #tpu.memory_space<vmem>> -> memref<128xi32, #tpu.memory_space<vmem>>
      %dma_wait3A_51 = arith.constant 0 : i32
      %dma_wait3A_52 = tpu.memref_slice %arg3[%add3A_6, %dma_wait3A_51] : memref<64x128xi32, #tpu.memory_space<hbm>> -> memref<1x128xi32, #tpu.memory_space<hbm>>
      %dma_wait3A_53 = tpu.memref_squeeze %dma_wait3A_52 : memref<1x128xi32, #tpu.memory_space<hbm>> -> memref<128xi32, #tpu.memory_space<hbm>>
      tpu.wait_dma2 semaphore(%run_scoped3A_30 : memref<!tpu.dma_semaphore, #tpu.memory_space<semaphore_mem>>) src(%dma_wait3A_53 : memref<128xi32, #tpu.memory_space<hbm>>) dst(%dma_wait3A_50 : memref<128xi32, #tpu.memory_space<vmem>>)
      tpu.yield
    }) : () -> ()
    %mul3A_7 = arith.constant 2 : i32
    %mul3A_8 = arith.muli %add3A, %mul3A_7 : i32
    %add3A_9 = arith.constant 1 : i32
    %add3A_10 = arith.addi %mul3A_8, %add3A_9 : i32
    %run_scoped3A_11 = arith.constant 1 : i32
    "tpu.region"() ({
      %run_scoped3A_30 = tpu.sem_alloc : memref<!tpu.dma_semaphore, #tpu.memory_space<semaphore_mem>>
      %dma_start3A_31 = arith.constant 0 : i32
      %dma_start3A_32 = tpu.memref_slice %arg5[%run_scoped3A_11, %dma_start3A_31] : memref<2x128xi32, #tpu.memory_space<vmem>> -> memref<1x128xi32, #tpu.memory_space<vmem>>
      %dma_start3A_33 = tpu.memref_squeeze %dma_start3A_32 : memref<1x128xi32, #tpu.memory_space<vmem>> -> memref<128xi32, #tpu.memory_space<vmem>>
      %dma_start3A_34 = arith.constant 0 : i32
      %dma_start3A_35 = tpu.memref_slice %arg3[%add3A_10, %dma_start3A_34] : memref<64x128xi32, #tpu.memory_space<hbm>> -> memref<1x128xi32, #tpu.memory_space<hbm>>
      %dma_start3A_36 = tpu.memref_squeeze %dma_start3A_35 : memref<1x128xi32, #tpu.memory_space<hbm>> -> memref<128xi32, #tpu.memory_space<hbm>>
      %dma_start3A_37 = arith.constant 0 : i32
      %dma_start3A_38 = tpu.memref_slice %arg5[%run_scoped3A_11, %dma_start3A_37] : memref<2x128xi32, #tpu.memory_space<vmem>> -> memref<1x128xi32, #tpu.memory_space<vmem>>
      %dma_start3A_39 = tpu.memref_squeeze %dma_start3A_38 : memref<1x128xi32, #tpu.memory_space<vmem>> -> memref<128xi32, #tpu.memory_space<vmem>>
      %dma_start3A_40 = arith.constant 0 : i32
      %dma_start3A_41 = tpu.memref_slice %arg3[%add3A_10, %dma_start3A_40] : memref<64x128xi32, #tpu.memory_space<hbm>> -> memref<1x128xi32, #tpu.memory_space<hbm>>
      %dma_start3A_42 = tpu.memref_squeeze %dma_start3A_41 : memref<1x128xi32, #tpu.memory_space<hbm>> -> memref<128xi32, #tpu.memory_space<hbm>>
      tpu.enqueue_dma source(%dma_start3A_42 : memref<128xi32, #tpu.memory_space<hbm>>) target(%dma_start3A_39 : memref<128xi32, #tpu.memory_space<vmem>>) target_semaphore(%run_scoped3A_30 : memref<!tpu.dma_semaphore, #tpu.memory_space<semaphore_mem>>)
      %dma_wait3A = arith.constant 0 : i32
      %dma_wait3A_43 = tpu.memref_slice %arg5[%run_scoped3A_11, %dma_wait3A] : memref<2x128xi32, #tpu.memory_space<vmem>> -> memref<1x128xi32, #tpu.memory_space<vmem>>
      %dma_wait3A_44 = tpu.memref_squeeze %dma_wait3A_43 : memref<1x128xi32, #tpu.memory_space<vmem>> -> memref<128xi32, #tpu.memory_space<vmem>>
      %dma_wait3A_45 = arith.constant 0 : i32
      %dma_wait3A_46 = tpu.memref_slice %arg3[%add3A_10, %dma_wait3A_45] : memref<64x128xi32, #tpu.memory_space<hbm>> -> memref<1x128xi32, #tpu.memory_space<hbm>>
      %dma_wait3A_47 = tpu.memref_squeeze %dma_wait3A_46 : memref<1x128xi32, #tpu.memory_space<hbm>> -> memref<128xi32, #tpu.memory_space<hbm>>
      %dma_wait3A_48 = arith.constant 0 : i32
      %dma_wait3A_49 = tpu.memref_slice %arg5[%run_scoped3A_11, %dma_wait3A_48] : memref<2x128xi32, #tpu.memory_space<vmem>> -> memref<1x128xi32, #tpu.memory_space<vmem>>
      %dma_wait3A_50 = tpu.memref_squeeze %dma_wait3A_49 : memref<1x128xi32, #tpu.memory_space<vmem>> -> memref<128xi32, #tpu.memory_space<vmem>>
      %dma_wait3A_51 = arith.constant 0 : i32
      %dma_wait3A_52 = tpu.memref_slice %arg3[%add3A_10, %dma_wait3A_51] : memref<64x128xi32, #tpu.memory_space<hbm>> -> memref<1x128xi32, #tpu.memory_space<hbm>>
      %dma_wait3A_53 = tpu.memref_squeeze %dma_wait3A_52 : memref<1x128xi32, #tpu.memory_space<hbm>> -> memref<128xi32, #tpu.memory_space<hbm>>
      tpu.wait_dma2 semaphore(%run_scoped3A_30 : memref<!tpu.dma_semaphore, #tpu.memory_space<semaphore_mem>>) src(%dma_wait3A_53 : memref<128xi32, #tpu.memory_space<hbm>>) dst(%dma_wait3A_50 : memref<128xi32, #tpu.memory_space<vmem>>)
      tpu.yield
    }) : () -> ()
    %dma_start3A = arith.constant 0 : i32
    %dma_start3A_12 = arith.constant 0 : i32
    %dma_start3A_13 = tpu.memref_slice %arg5[%dma_start3A, %dma_start3A_12] : memref<2x128xi32, #tpu.memory_space<vmem>> -> memref<1x64xi32, #tpu.memory_space<vmem>>
    %dma_start3A_14 = tpu.memref_squeeze %dma_start3A_13 : memref<1x64xi32, #tpu.memory_space<vmem>> -> memref<64xi32, #tpu.memory_space<vmem>>
    %dma_start3A_15 = arith.constant 0 : i32
    %dma_start3A_16 = arith.constant 0 : i32
    %dma_start3A_17 = tpu.memref_slice %arg2[%dma_start3A_15, %dma_start3A_16] : memref<50257x768xf32, #tpu.memory_space<hbm>> -> memref<50257x768xf32, #tpu.memory_space<hbm>>
    tpu.enqueue_indirect_dma source(%dma_start3A_17 : memref<50257x768xf32, #tpu.memory_space<hbm>>) target(%arg6 : memref<64x768xf32, #tpu.memory_space<vmem>>) offsets(%dma_start3A_14 : memref<64xi32, #tpu.memory_space<vmem>>) semaphore(%arg8 : memref<!tpu.dma_semaphore, #tpu.memory_space<semaphore_mem>>)
    %dma_start3A_18 = arith.constant 0 : i32
    %dma_start3A_19 = arith.constant 64 : i32
    %dma_start3A_20 = tpu.memref_slice %arg5[%dma_start3A_18, %dma_start3A_19] : memref<2x128xi32, #tpu.memory_space<vmem>> -> memref<1x64xi32, #tpu.memory_space<vmem>>
    %dma_start3A_21 = tpu.memref_squeeze %dma_start3A_20 : memref<1x64xi32, #tpu.memory_space<vmem>> -> memref<64xi32, #tpu.memory_space<vmem>>
    %dma_start3A_22 = arith.constant 0 : i32
    %dma_start3A_23 = arith.constant 0 : i32
    %dma_start3A_24 = tpu.memref_slice %arg2[%dma_start3A_22, %dma_start3A_23] : memref<50257x768xf32, #tpu.memory_space<hbm>> -> memref<50257x768xf32, #tpu.memory_space<hbm>>
    tpu.enqueue_indirect_dma source(%dma_start3A_24 : memref<50257x768xf32, #tpu.memory_space<hbm>>) target(%arg7 : memref<64x768xf32, #tpu.memory_space<vmem>>) offsets(%dma_start3A_21 : memref<64xi32, #tpu.memory_space<vmem>>) semaphore(%arg9 : memref<!tpu.dma_semaphore, #tpu.memory_space<semaphore_mem>>)
    %scan3A = arith.constant 0 : i32
    %scan3A_25 = arith.constant 0 : i32
    %scan3A_26 = arith.constant 2 : i32
    %scan3A_27 = arith.addi %scan3A_25, %scan3A_26 : i32
    %scan3A_28 = arith.constant 1 : i32
    scf.for %scan3A_30 = %scan3A_25 to %scan3A_27 step %scan3A_28  : i32 {
      %dma_wait3A = arith.constant 0 : i32
      %dma_wait3A_31 = arith.constant 0 : i32
      %dma_wait3A_32 = tpu.memref_slice %arg2[%dma_wait3A, %dma_wait3A_31] : memref<50257x768xf32, #tpu.memory_space<hbm>> -> memref<64x768xf32, #tpu.memory_space<hbm>>
      %dma_wait3A_33 = arith.constant 0 : i32
      %dma_wait3A_34 = arith.constant 0 : i32
      %dma_wait3A_35 = tpu.memref_slice %arg2[%dma_wait3A_33, %dma_wait3A_34] : memref<50257x768xf32, #tpu.memory_space<hbm>> -> memref<64x768xf32, #tpu.memory_space<hbm>>
      tpu.wait_dma2 semaphore(%arg8 : memref<!tpu.dma_semaphore, #tpu.memory_space<semaphore_mem>>) src(%dma_wait3A_35 : memref<64x768xf32, #tpu.memory_space<hbm>>) dst(%arg6 : memref<64x768xf32, #tpu.memory_space<vmem>>)
      %mul3A_36 = arith.constant 2 : i32
      %mul3A_37 = arith.muli %mul3A_36, %scan3A_30 : i32
      %add3A_38 = arith.constant 0 : i32
      %add3A_39 = arith.addi %mul3A_37, %add3A_38 : i32
      %mul3A_40 = arith.constant 64 : i32
      %mul3A_41 = arith.muli %add3A_39, %mul3A_40 : i32
      %add3A_42 = arith.addi %mul3A_2, %mul3A_41 : i32
      "tpu.region"() ({
        %run_scoped3A_67 = tpu.sem_alloc : memref<!tpu.dma_semaphore, #tpu.memory_space<semaphore_mem>>
        %dma_start3A_68 = arith.constant 0 : i32
        %dma_start3A_69 = tpu.memref_slice %arg4[%add3A_42, %dma_start3A_68] : memref<8192x768xf32, #tpu.memory_space<hbm>> -> memref<64x768xf32, #tpu.memory_space<hbm>>
        %dma_start3A_70 = arith.constant 0 : i32
        %dma_start3A_71 = tpu.memref_slice %arg4[%add3A_42, %dma_start3A_70] : memref<8192x768xf32, #tpu.memory_space<hbm>> -> memref<64x768xf32, #tpu.memory_space<hbm>>
        tpu.enqueue_dma source(%arg6 : memref<64x768xf32, #tpu.memory_space<vmem>>) target(%dma_start3A_71 : memref<64x768xf32, #tpu.memory_space<hbm>>) target_semaphore(%run_scoped3A_67 : memref<!tpu.dma_semaphore, #tpu.memory_space<semaphore_mem>>)
        %dma_wait3A_72 = arith.constant 0 : i32
        %dma_wait3A_73 = tpu.memref_slice %arg4[%add3A_42, %dma_wait3A_72] : memref<8192x768xf32, #tpu.memory_space<hbm>> -> memref<64x768xf32, #tpu.memory_space<hbm>>
        %dma_wait3A_74 = arith.constant 0 : i32
        %dma_wait3A_75 = tpu.memref_slice %arg4[%add3A_42, %dma_wait3A_74] : memref<8192x768xf32, #tpu.memory_space<hbm>> -> memref<64x768xf32, #tpu.memory_space<hbm>>
        tpu.wait_dma2 semaphore(%run_scoped3A_67 : memref<!tpu.dma_semaphore, #tpu.memory_space<semaphore_mem>>) src(%arg6 : memref<64x768xf32, #tpu.memory_space<vmem>>) dst(%dma_wait3A_75 : memref<64x768xf32, #tpu.memory_space<hbm>>)
        tpu.yield
      }) : () -> ()
      %add3A_43 = arith.constant 1 : i32
      %add3A_44 = arith.addi %scan3A_30, %add3A_43 : i32
      %lt3A = arith.constant 2 : i32
      %lt3A_45 = arith.cmpi slt, %add3A_44, %lt3A : i32
      %convert_element_type3A = arith.extui %lt3A_45 : i1 to i32
      %cond3A = arith.constant 0 : i32
      %cond3A_46 = arith.cmpi ne, %convert_element_type3A, %cond3A : i32
      scf.if %cond3A_46 {
        %add3A_67 = arith.constant 1 : i32
        %add3A_68 = arith.addi %scan3A_30, %add3A_67 : i32
        %dma_start3A_69 = arith.constant 0 : i32
        %dma_start3A_70 = tpu.memref_slice %arg5[%add3A_68, %dma_start3A_69] : memref<2x128xi32, #tpu.memory_space<vmem>> -> memref<1x64xi32, #tpu.memory_space<vmem>>
        %dma_start3A_71 = tpu.memref_squeeze %dma_start3A_70 : memref<1x64xi32, #tpu.memory_space<vmem>> -> memref<64xi32, #tpu.memory_space<vmem>>
        %dma_start3A_72 = arith.constant 0 : i32
        %dma_start3A_73 = arith.constant 0 : i32
        %dma_start3A_74 = tpu.memref_slice %arg2[%dma_start3A_72, %dma_start3A_73] : memref<50257x768xf32, #tpu.memory_space<hbm>> -> memref<50257x768xf32, #tpu.memory_space<hbm>>
        tpu.enqueue_indirect_dma source(%dma_start3A_74 : memref<50257x768xf32, #tpu.memory_space<hbm>>) target(%arg6 : memref<64x768xf32, #tpu.memory_space<vmem>>) offsets(%dma_start3A_71 : memref<64xi32, #tpu.memory_space<vmem>>) semaphore(%arg8 : memref<!tpu.dma_semaphore, #tpu.memory_space<semaphore_mem>>)
      } else {
      }
      %dma_wait3A_47 = arith.constant 0 : i32
      %dma_wait3A_48 = arith.constant 0 : i32
      %dma_wait3A_49 = tpu.memref_slice %arg2[%dma_wait3A_47, %dma_wait3A_48] : memref<50257x768xf32, #tpu.memory_space<hbm>> -> memref<64x768xf32, #tpu.memory_space<hbm>>
      %dma_wait3A_50 = arith.constant 0 : i32
      %dma_wait3A_51 = arith.constant 0 : i32
      %dma_wait3A_52 = tpu.memref_slice %arg2[%dma_wait3A_50, %dma_wait3A_51] : memref<50257x768xf32, #tpu.memory_space<hbm>> -> memref<64x768xf32, #tpu.memory_space<hbm>>
      tpu.wait_dma2 semaphore(%arg9 : memref<!tpu.dma_semaphore, #tpu.memory_space<semaphore_mem>>) src(%dma_wait3A_52 : memref<64x768xf32, #tpu.memory_space<hbm>>) dst(%arg7 : memref<64x768xf32, #tpu.memory_space<vmem>>)
      %mul3A_53 = arith.constant 2 : i32
      %mul3A_54 = arith.muli %mul3A_53, %scan3A_30 : i32
      %add3A_55 = arith.constant 1 : i32
      %add3A_56 = arith.addi %mul3A_54, %add3A_55 : i32
      %mul3A_57 = arith.constant 64 : i32
      %mul3A_58 = arith.muli %add3A_56, %mul3A_57 : i32
      %add3A_59 = arith.addi %mul3A_2, %mul3A_58 : i32
      "tpu.region"() ({
        %run_scoped3A_67 = tpu.sem_alloc : memref<!tpu.dma_semaphore, #tpu.memory_space<semaphore_mem>>
        %dma_start3A_68 = arith.constant 0 : i32
        %dma_start3A_69 = tpu.memref_slice %arg4[%add3A_59, %dma_start3A_68] : memref<8192x768xf32, #tpu.memory_space<hbm>> -> memref<64x768xf32, #tpu.memory_space<hbm>>
        %dma_start3A_70 = arith.constant 0 : i32
        %dma_start3A_71 = tpu.memref_slice %arg4[%add3A_59, %dma_start3A_70] : memref<8192x768xf32, #tpu.memory_space<hbm>> -> memref<64x768xf32, #tpu.memory_space<hbm>>
        tpu.enqueue_dma source(%arg7 : memref<64x768xf32, #tpu.memory_space<vmem>>) target(%dma_start3A_71 : memref<64x768xf32, #tpu.memory_space<hbm>>) target_semaphore(%run_scoped3A_67 : memref<!tpu.dma_semaphore, #tpu.memory_space<semaphore_mem>>)
        %dma_wait3A_72 = arith.constant 0 : i32
        %dma_wait3A_73 = tpu.memref_slice %arg4[%add3A_59, %dma_wait3A_72] : memref<8192x768xf32, #tpu.memory_space<hbm>> -> memref<64x768xf32, #tpu.memory_space<hbm>>
        %dma_wait3A_74 = arith.constant 0 : i32
        %dma_wait3A_75 = tpu.memref_slice %arg4[%add3A_59, %dma_wait3A_74] : memref<8192x768xf32, #tpu.memory_space<hbm>> -> memref<64x768xf32, #tpu.memory_space<hbm>>
        tpu.wait_dma2 semaphore(%run_scoped3A_67 : memref<!tpu.dma_semaphore, #tpu.memory_space<semaphore_mem>>) src(%arg7 : memref<64x768xf32, #tpu.memory_space<vmem>>) dst(%dma_wait3A_75 : memref<64x768xf32, #tpu.memory_space<hbm>>)
        tpu.yield
      }) : () -> ()
      %add3A_60 = arith.constant 1 : i32
      %add3A_61 = arith.addi %scan3A_30, %add3A_60 : i32
      %lt3A_62 = arith.constant 2 : i32
      %lt3A_63 = arith.cmpi slt, %add3A_61, %lt3A_62 : i32
      %convert_element_type3A_64 = arith.extui %lt3A_63 : i1 to i32
      %cond3A_65 = arith.constant 0 : i32
      %cond3A_66 = arith.cmpi ne, %convert_element_type3A_64, %cond3A_65 : i32
      scf.if %cond3A_66 {
        %add3A_67 = arith.constant 1 : i32
        %add3A_68 = arith.addi %scan3A_30, %add3A_67 : i32
        %dma_start3A_69 = arith.constant 64 : i32
        %dma_start3A_70 = tpu.memref_slice %arg5[%add3A_68, %dma_start3A_69] : memref<2x128xi32, #tpu.memory_space<vmem>> -> memref<1x64xi32, #tpu.memory_space<vmem>>
        %dma_start3A_71 = tpu.memref_squeeze %dma_start3A_70 : memref<1x64xi32, #tpu.memory_space<vmem>> -> memref<64xi32, #tpu.memory_space<vmem>>
        %dma_start3A_72 = arith.constant 0 : i32
        %dma_start3A_73 = arith.constant 0 : i32
        %dma_start3A_74 = tpu.memref_slice %arg2[%dma_start3A_72, %dma_start3A_73] : memref<50257x768xf32, #tpu.memory_space<hbm>> -> memref<50257x768xf32, #tpu.memory_space<hbm>>
        tpu.enqueue_indirect_dma source(%dma_start3A_74 : memref<50257x768xf32, #tpu.memory_space<hbm>>) target(%arg7 : memref<64x768xf32, #tpu.memory_space<vmem>>) offsets(%dma_start3A_71 : memref<64xi32, #tpu.memory_space<vmem>>) semaphore(%arg9 : memref<!tpu.dma_semaphore, #tpu.memory_space<semaphore_mem>>)
      } else {
      }
    }
    %scan3A_29 = arith.constant 2 : i32
    return
  }
}

</mosaic_0001>

<sc_bundles>
// kernel: kernel.3.cloned.1.call-start
scs
__scs_entry_jumppad:
0x0: {  	(pc) =	sbr.rel $0x88, $3  }
0x1: {  	(tag) =	ssettag $0x0;
	lr =	simm.s32 $0x1  }
0x2: {  	[smem:$0x3F9F] =	sst lr;
	_ =	strace $0xD0000000  }
0x3: {  	_ = 	snop  }
0x4: {  	_ = 	snop  }
0x5: {  	_ = 	snop  }
0x6: {  	_ = 	snop  }
0x7: {  	_ = 	snop  }
__scs_overlays_trampoline_lowered:
0x8: {  	[smem:$0x3FAE] =	sst s0  }
0x9: {  	[smem:$0x3FAF] =	sst s1  }
0xa: {  	[smem:$0x3FB0] =	sst s2  }
0xb: {  	[smem:$0x3FB1] =	sst s3  }
0xc: {  	[smem:$0x3FB2] =	sst s4  }
0xd: {  	[smem:$0x3FB3] =	sst s5  }
0xe: {  	[smem:$0x3FB4] =	sst s6  }
0xf: {  	[smem:$0x3FB5] =	sst s7  }
0x10: {  	[smem:$0x3FB6] =	sst s8  }
0x11: {  	[smem:$0x3FB7] =	sst s9;
	s0 =	simm.s32 @!p0 $0x0  }
0x12: {  	s1 =	sld [smem:$0x3F9D];
	s0 =	simm.s32 @p0 $0x1  }
0x13: {  	[smem:$0x3FB8] =	sst s0;
	s0 =	simm.s32 @!p1 $0x0  }
0x14: {  	s2 =	sld [smem:$0x3F9C];
	s0 =	simm.s32 @p1 $0x1  }
0x15: {  	[smem:$0x3FB9] =	sst s0;
	s0 =	simm.s32 @!p2 $0x0  }
0x16: {  	s3 =	sld [smem:$0x3FDB];
	s0 =	simm.s32 @p2 $0x1  }
0x17: {  	s4 =	simm.s32 $0x1BF5;
	[smem:$0x3FBB] =	sst s0  }
0x18: {  	s0 =	sld [smem:$0x3F9E];
	_ =	swait.ge [sflag:s4], $0x0  }
0x19: {  	s7 =	sld [smem:$0x3F9F]  }
0x1a: {  	s8 =	sadd.s32 $0xFFFFE003, lr  }
0x1b: {  	s9 =	sadd.s32 $0xFFFFFEF7, lr;
	s5 =	simm.s32 $0xFFFFFFFF;
	p2 =	slt.u32 s8, $0xFFFFF086  }
0x1c: {  	p1 =	slt.u32 s9, $0xF7A;
	s5 =	simm.s32 @!p2 $0x0  }
0x1d: {  	s5 =	simm.s32 @p1 $0x1;
	p0 =	seq.s32 s7, s2  }
0x1e: {  	s7 =	smul.u32 @!p0 $0xF7A, s2;
	p2 =	seq.s32 @!p0 s5, $0x0  }
0x1f: {  	s9 =	smul.u32 $0xF7A, s1;
	s8 =	simm.s32 @!p0 $0x1BF5;
	p2 =	por !p2, p0  }
0x20: {  	[sflag:s8] =	ssyncset.s32 @!p0 $0xFFFFF086;
	s6 =	sadd.s32 @!p0 s3, s7;
	s7 =	simm.s32 @!p0 $0x108  }
0x21: {  	s3 =	sadd.s32 s3, s9;
	s6 =	sadd.s32 @!p0 $0x88, s6;
	s7 =	simm.s32 @p2 $0x1082  }
0x22: {  	[simem:s7], [sflag:s8] =	dma.local @!p0 [hbm:s6], $0xF7A  }
0x23: {  	s9 =	sor.u32 $0xD0000000, s2;
	s6 =	simm.s32 $0x108;
	_ =	swait.ge @!p0 [sflag:s8], $0x0  }
0x24: {  	s3 =	sadd.s32 $0x88, s3;
	s6 =	simm.s32 @!p1 $0x1082;
	[sflag:s4] =	ssyncset.s32 $0xFFFFF086  }
0x25: {  	[simem:s6], [sflag:s4] =	dma.local [hbm:s3], $0xF7A  }
0x26: {  	[smem:$0x3F9F] =	sst s1;
	(tag) =	ssettag s2;
	_ =	strace s9  }
0x27: {  	s1 =	sld [smem:$0x3FAF]  }
0x28: {  	s2 =	sld [smem:$0x3FB0]  }
0x29: {  	s4 =	sld [smem:$0x3FB2]  }
0x2a: {  	p0 =	seq.s32 s5, $0x0;
	s5 =	sld [smem:$0x3FB3]  }
0x2b: {  	s6 =	sld [smem:$0x3FB4]  }
0x2c: {  	s7 =	sld [smem:$0x3FB5]  }
0x2d: {  	s3 =	simm.s32 $0x108;
	s8 =	sld [smem:$0x3FB6]  }
0x2e: {  	s3 =	simm.s32 @!p0 $0x1082;
	s9 =	sld [smem:$0x3FB7]  }
0x2f: {  	lr =	sadd.s32 s0, s3;
	s0 =	sld [smem:$0x3FAE]  }
0x30: {  	s3 =	sld [smem:$0x3FB1]  }
0x31: {  	[smem:$0x3FBA] =	sst s10  }
0x32: {  	s10 =	sld [smem:$0x3FB8];
	_ =	sdelay $0x3  }
0x33: {  	p0 =	seq.s32 s10, $0x1;
	s10 =	sld [smem:$0x3FBA];
	_ =	sdelay $0x3  }
0x34: {  	[smem:$0x3FBA] =	sst s10  }
0x35: {  	s10 =	sld [smem:$0x3FB9];
	_ =	sdelay $0x3  }
0x36: {  	p1 =	seq.s32 s10, $0x1;
	s10 =	sld [smem:$0x3FBA];
	_ =	sdelay $0x3  }
0x37: {  	[smem:$0x3FBA] =	sst s10  }
0x38: {  	s10 =	sld [smem:$0x3FBB]  }
0x39: {  	_ = 	snop;
	(pc) =	sbr.ind lr, $3  }
0x3a: {  	_ = 	snop  }
0x3b: {  	_ = 	snop  }
0x3c: {  	p2 =	seq.s32 s10, $0x1;
	s10 =	sld [smem:$0x3FBA]  }
0x3d: {  	_ =	shalt  }
0x3e: {  	_ =	shalt  }
0x3f: {  	_ =	shalt  }
0x40: {  	_ =	shalt  }
0x41: {  	_ =	shalt  }
0x42: {  	_ =	shalt  }
0x43: {  	_ =	shalt  }
0x44: {  	_ =	shalt  }
0x45: {  	_ =	shalt  }
0x46: {  	_ =	shalt  }
0x47: {  	_ =	shalt  }
0x48: {  	_ =	shalt  }
0x49: {  	_ =	shalt  }
0x4a: {  	_ =	shalt  }
0x4b: {  	_ =	shalt  }
0x4c: {  	_ =	shalt  }
0x4d: {  	_ =	shalt  }
0x4e: {  	_ =	shalt  }
0x4f: {  	_ =	shalt  }
0x50: {  	_ =	shalt  }
0x51: {  	_ =	shalt  }
0x52: {  	_ =	shalt  }
0x53: {  	_ =	shalt  }
0x54: {  	_ =	shalt  }
0x55: {  	_ =	shalt  }
0x56: {  	_ =	shalt  }
0x57: {  	_ =	shalt  }
0x58: {  	_ =	shalt  }
0x59: {  	_ =	shalt  }
0x5a: {  	_ =	shalt  }
0x5b: {  	_ =	shalt  }
0x5c: {  	_ =	shalt  }
0x5d: {  	_ =	shalt  }
0x5e: {  	_ =	shalt  }
0x5f: {  	_ =	shalt  }
0x60: {  	_ =	shalt  }
0x61: {  	_ =	shalt  }
0x62: {  	_ =	shalt  }
0x63: {  	_ =	shalt  }
0x64: {  	_ =	shalt  }
0x65: {  	_ =	shalt  }
0x66: {  	_ =	shalt  }
0x67: {  	_ =	shalt  }
0x68: {  	_ =	shalt  }
0x69: {  	_ =	shalt  }
0x6a: {  	_ =	shalt  }
0x6b: {  	_ =	shalt  }
0x6c: {  	_ =	shalt  }
0x6d: {  	_ =	shalt  }
0x6e: {  	_ =	shalt  }
0x6f: {  	_ =	shalt  }
0x70: {  	_ =	shalt  }
0x71: {  	_ =	shalt  }
0x72: {  	_ =	shalt  }
0x73: {  	_ =	shalt  }
0x74: {  	_ =	shalt  }
0x75: {  	_ =	shalt  }
0x76: {  	_ =	shalt  }
0x77: {  	_ =	shalt  }
0x78: {  	_ =	shalt  }
0x79: {  	_ =	shalt  }
0x7a: {  	_ =	shalt  }
0x7b: {  	_ =	shalt  }
0x7c: {  	_ =	shalt  }
0x7d: {  	_ =	shalt  }
0x7e: {  	_ =	shalt  }
0x7f: {  	_ =	shalt  }
0x80: {  	_ =	shalt  }
0x81: {  	_ =	shalt  }
0x82: {  	_ =	shalt  }
0x83: {  	_ =	shalt  }
0x84: {  	_ =	shalt  }
0x85: {  	_ =	shalt  }
0x86: {  	_ =	shalt  }
0x87: {  	_ =	shalt  }
.Lfunc_end0:
.L_simem_size_0:
called_computation_lowered:
.L_overlay_start_0:
0x88: {  	s2 =	sld [smem:$0x3FD9]  }
0x89: {  	s3 =	sld [smem:$0x3FFE];
	_ =	sdelay $0x1  }
0x8a: {  	s1 =	srdreg.scid  }
0x8b: {  	s0 =	sand.u32 $0x1, s1  }
0x8c: {  	s15 =	sshll.u32 s0, $0xA;
	s2 =	sadd.s32 s3, s2  }
0x8d: {  	s2 =	sadd.s32 s2, s15  }
0x8e: {  	[smem:$0x3FC6] =	sst s2  }
0x8f: {  	_ = 	snop  }
0x90: {  	s2 =	sld [smem:$0x3FD0];
	_ =	sdelay $0x1  }
0x91: {  	s16 =	sld [smem:$0x3FC9]  }
0x92: {  	s5 =	simm.s32 $0xA;
	s6 =	simm.s32 $0x10;
	s4 =	sld [smem:$0x3FC8]  }
0x93: {  	[smem:s6], [sflag:s5] =	dma.local [hbm:s2], $0x1  }
0x94: {  	_ =	swait.eq [sflag:s5], $0x1  }
0x95: {  	[sflag:s5] =	ssyncset.done $0x0  }
0x96: {  	[sflag:s5] =	ssyncadd.s32 $0xFFFFFFFF  }
0x97: {  	s17 =	sld [smem:$0x11];
	(tm) =	ssettm $0x1  }
0x98: {  	s18 =	sld [smem:$0x3FFB];
	_ =	sdelay $0x3  }
0x99: {  	_ =	strace s18  }
0x9a: {  	s5 =	sld [smem:$0x3FFC];
	_ =	sdelay $0x3  }
0x9b: {  	_ =	strace s5  }
0x9c: {  	s5 =	sld [smem:$0x3FFD];
	_ =	sdelay $0x3  }
0x9d: {  	_ =	strace s5  }
0x9e: {  	_ =	strace $0x8FFFFFFF  }
0x9f: {  	s19 =	sld [smem:$0x3FDB];
	_ =	sdelay $0x1  }
0xa0: {  	s20 =	simm.s32 $_scs_section_size  }
0xa1: {  	s7 =	simm.s32 $_size__tile_overlayer_lowered;
	s8 =	simm.s32 $_tile_overlayer_lowered  }
0xa2: {  	s23 =	simm.s32 $0x1BFF;
	s22 =	sshll.u32 s8, $0x1;
	s5 =	sadd.s32 s20, s19  }
0xa3: {  	s9 =	simm.s32 $0x0;
	s21 =	sshll.u32 s7, $0x1;
	s7 =	sadd.s32 s22, s5  }
0xa4: {  	[timem:s9], [sflag:s23] =	dma.local [hbm:s7], s21  }
0xa5: {  	_ =	swait.ge [sflag:s23], s21  }
0xa6: {  	s6 =	ssub.s32 $0x0, s21;
	[sflag:s23] =	ssyncset.done $0x0  }
0xa7: {  	[sflag:s23] =	ssyncadd.s32 s6;
	_ =	sdelay $0x1  }
0xa8: {  	s24 =	simm.s32 $0x1B8B  }
0xa9: {  	_ =	swait.ge [sflag:s24], $0x1  }
0xaa: {  	[sflag:s24] =	ssyncset.done $0x0  }
0xab: {  	s25 =	simm.s32 $0x1B8E;
	[sflag:s24] =	ssyncadd.s32 $0xFFFFFFFF  }
0xac: {  	s26 =	simm.s32 $execute0_lowered;
	[smem:$0x3FD2] =	sst s25  }
0xad: {  	s6 =	sshll.u32 s26, $0x1;
	_ =	strace $0x80000046;
	[dreg:$0x1] =	wrdreg $0xFFFFFFFF  }
0xae: {  	s28 =	simm.s32 $_size_execute0_lowered;
	s5 =	sadd.s32 s5, s6;
	[dreg:$0x0] =	wrdreg $0x0  }
0xaf: {  	s6 =	sshll.u32 s28, $0x1;
	[dreg:$0x2] =	wrdreg s5  }
0xb0: {  	[dreg:$0x3] =	wrdreg s6  }
0xb1: {  	[dreg:$0x4] =	wrdreg $0xC0  }
0xb2: {  	_ =	task [dreg:s9], $0x5FFFF  }
0xb3: {  	[dreg:$0x1] =	wrdreg $0xFFFFFFFF  }
0xb4: {  	[dreg:$0x0] =	wrdreg $0x60  }
0xb5: {  	[dreg:$0x2] =	wrdreg s4  }
0xb6: {  	[dreg:$0x3] =	wrdreg s16  }
0xb7: {  	[dreg:$0x4] =	wrdreg s17  }
0xb8: {  	[dreg:$0x5] =	wrdreg $0x9  }
0xb9: {  	_ =	task.clear_ibuf [dreg:s9], $0x6FFFF;
	_ =	strace $0x90000046  }
0xba: {  	s29 =	simm.s32 $0x9;
	_ =	strace $0x80000048  }
0xbb: {  	_ =	swait.ge [sflag:s29], $0x1  }
0xbc: {  	[sflag:s29] =	ssyncadd.s32 $0xFFFFFFFF  }
0xbd: {  	_ =	strace $0x90000048  }
0xbe: {  	_ =	sfence  }
0xbf: {  	s30 =	sld [smem:$0x0];
	_ =	sdelay $0x2  }
0xc0: {  	s31 =	sshll.u32 s1, $0xD;
	s1 =	sshrl.u32 s1, $0x2  }
0xc1: {  	s3 =	sand.u32 $0x4000, s31;
	s1 =	sadd.s32 s1, s30  }
0xc2: {  	s0 =	sor.u32 s3, s0;
	s1 =	sshll.u32 s1, $0x11  }
0xc3: {  	s0 =	sor.u32 s1, s0  }
0xc4: {  	s0 =	sadd.s32 $0x8F2B, s0  }
0xc5: {  	[sflag:s0] =	ssyncadd.remote.s32 $0x1  }
0xc6: {  	_ =	sfence.sel $0xFFFF  }
0xc7: {  	[dreg:$0x0] =	wrdreg $0xFFFFFFFF;
	(pc) =	sbr.abs _section_cstart, $3  }
0xc8: {  	[dreg:$0x1] =	wrdreg $0xFFFFFFFF  }
0xc9: {  	_ =	task.clear_ibuf [dreg:s9], $0x2FFFF;
	_ =	strace $0x9FFFFFFF  }
0xca: {  	(tm) =	ssettm $0x7FFFFFFF  }
0xcb: {  	_ =	shalt  }
tec
execute0_lowered:
.L_overlay_start_1:
0x0: {  	(tag) =	ssettag $0x1  }
0x1: {  	s1 =	rddreg [dreg:$0x0];
	s0 =	srdreg.scid  }
0x2: {  	s2 =	rddreg [dreg:$0x1];
	s3 =	stileid.u32  }
0x3: {  	s7 =	rddreg [dreg:$0x2];
	s5 =	simm.s32 $0x0;
	s12 =	simm.s32 $0x3  }
0x4: {  	s14 =	simm.s32 $0x100;
	s16 =	simm.s32 $0xC100;
	s23 =	simm.s32 $0xF900  }
0x5: {  	s24 =	simm.s32 $0x10100;
	s25 =	simm.s32 $0x10900;
	s26 =	simm.s32 $0x11100  }
0x6: {  	s28 =	simm.s32 $0x11900;
	s29 =	simm.s32 $0x12100;
	s30 =	simm.s32 $0x12900  }
0x7: {  	s31 =	simm.s32 $0x13100;
	s13 =	simm.s32 $0x14900;
	s10 =	simm.s32 $0x15900  }
0x8: {  	s15 =	simm.s32 $0x16900;
	s17 =	simm.s32 $0x17900;
	s18 =	simm.s32 $0x1  }
0x9: {  	s19 =	simm.s32 $0x2;
	s21 =	simm.s32 $0x0;
	s0 =	sand.u32 $0x1, s0  }
0xa: {  	s3 =	sshll.u32 s3, $0x9;
	[smem:$0x7FF] =	sst s5;
	s8 =	sadd.s32 $0x100, s1  }
0xb: {  	s9 =	sadd.s32 $0x200, s1;
	s11 =	sadd.s32 $0x1800, s7;
	s4 =	sshll.u32 s0, $0x8  }
0xc: {  	s7 =	simm.s32 $0x15100;
	s0 =	ssub.s32 $0x2, s0;
	s4 =	sor.u32 s4, s3  }
.Ltmp0:
0xd: {  	s6 =	sshrl.u32 s0, $0x1;
	s3 =	sshrl.u32 s4, $0x3;
	(pc) =	sbr.rel .LBB2_1-.Ltmp0, $4  }
0xe: {  	_ =	strace $0x80000047;
	s0 =	ssub.s32 s0, s6;
	s2 =	sadd.s32 s2, s3  }
0xf: {  	v2 =	vlaneseq.u32;
	s6 =	simm.s32 $0x16100;
	s0 =	smax.u32 s0, $0x1;
	[dreg:$0x4] =	wrdreg s2  }
0x10: {  	vm0 =	vmmov $0xffff;
	v1 =	vshrl.u32 v2, $0x3;
	s3 =	simm.s32 $0x17100;
	s2 =	sadd.s32 $0x10, s2;
	[dreg:$0x6] =	wrdreg s0  }
0x11: {  	v0 =	vand.u32 $0x7, v2;
	v2 =	vor.u32 $0x8, v2;
	v1 =	vmul.u32 $0x8, v1;
	s0 =	simm.s32 $0x14100;
	[dreg:$0x5] =	wrdreg s2;
	s2 =	simm.s32 $0x13900  }
.LBB2_6:
0x12: {  	s21 =	rddreg [dreg:$0x7]  }
0x13: {  	s20 =	rddreg [dreg:$0x6];
	s21 =	sadd.s32 $0x1, s21  }
0x14: {  	p0 =	sne.s32 s21, s20  }
.Ltmp1:
0x15: {  	_ = 	snop;
	(pc) =	sbr.rel @!p0 .LBB2_7-.Ltmp1, $1  }
0x16: {  	_ =	sdelay $0x3  }
.LBB2_1:
0x17: {  	[dreg:$0x7] =	wrdreg s21  }
0x18: {  	s20 =	rddreg [dreg:$0x4]  }
0x19: {  	[tilespmem:s5], [sflag:$0x3] =	stream.linear.gather [hbm4b:s20+s5], $0x80, $0x38;
	[tilespmem:$0x18100] =	vst v63  }
0x1a: {  	_ =	swait.ge [sflag:s12], $0x80  }
0x1b: {  	[sflag:s12] =	ssyncset.done $0x0  }
0x1c: {  	s22 =	simm.s32 $0x80;
	s21 =	rddreg [dreg:$0x5];
	[sflag:s12] =	ssyncadd.s32 $0xFFFFFF80  }
0x1d: {  	[tilespmem:s22], [sflag:$0x3] =	stream.linear.gather [hbm4b:s21+s5], $0x80, $0x38;
	[tilespmem:$0x18100] =	vst v63  }
0x1e: {  	_ =	swait.ge [sflag:s12], $0x80  }
0x1f: {  	[sflag:s12] =	ssyncset.done $0x0  }
0x20: {  	[sflag:s12] =	ssyncadd.s32 $0xFFFFFF80  }
0x21: {  	v3 =	vld [tilespmem:$0x0];
	_ =	sdelay $0x4  }
0x22: {  	v4 =	vshrl.u32 v3, $0x3  }
0x23: {  	v4 =	vmul.u32 $0x30, v4  }
0x24: {  	v3 =	vand.u32 $0x7, v3  }
0x25: {  	v3 =	vor.u32 v3, v4  }
0x26: {  	v4 =	vperm.xlane v3, v0;
	_ =	sdelay $0x1  }
0x27: {  	v4 =	vadd.s32 v1, v4;
	_ =	sdelay $0x3  }
0x28: {  	v3 =	vperm.xlane v3, v2  }
0x29: {  	[tilespmem:s14], [sflag:$0x1] =	stream.indirect_vreg.gather [hbm4b:s1+s5], $0x80, v4, vm0, $0xb8;
	[tilespmem:$0x18100] =	vst v63  }
0x2a: {  	s22 =	simm.s32 $0x900;
	v3 =	vadd.s32 v1, v3  }
0x2b: {  	[tilespmem:s22], [sflag:$0x1] =	stream.indirect_vreg.gather [hbm4b:s8+s5], $0x80, v4, vm0, $0xb8;
	[tilespmem:$0x18100] =	vst v63  }
0x2c: {  	s21 =	simm.s32 $0x1100  }
0x2d: {  	[tilespmem:s21], [sflag:$0x1] =	stream.indirect_vreg.gather [hbm4b:s9+s5], $0x80, v4, vm0, $0xb8;
	[tilespmem:$0x18100] =	vst v63  }
0x2e: {  	s22 =	simm.s32 $0x1900  }
0x2f: {  	[tilespmem:s22], [sflag:$0x1] =	stream.indirect_vreg.gather [hbm4b:s1+s5], $0x80, v3, vm0, $0xb8;
	[tilespmem:$0x18100] =	vst v63  }
0x30: {  	s21 =	simm.s32 $0x2100  }
0x31: {  	[tilespmem:s21], [sflag:$0x1] =	stream.indirect_vreg.gather [hbm4b:s8+s5], $0x80, v3, vm0, $0xb8;
	[tilespmem:$0x18100] =	vst v63  }
0x32: {  	s22 =	simm.s32 $0x2900  }
0x33: {  	[tilespmem:s22], [sflag:$0x1] =	stream.indirect_vreg.gather [hbm4b:s9+s5], $0x80, v3, vm0, $0xb8;
	[tilespmem:$0x18100] =	vst v63  }
0x34: {  	v3 =	vld [tilespmem:$0x10];
	_ =	sdelay $0x4  }
0x35: {  	v59 =	vshrl.u32 v3, $0x3  }
0x36: {  	v4 =	vmul.u32 $0x30, v59  }
0x37: {  	v3 =	vand.u32 $0x7, v3  }
0x38: {  	v3 =	vor.u32 v3, v4  }
0x39: {  	v4 =	vperm.xlane v3, v0;
	_ =	sdelay $0x1  }
0x3a: {  	v4 =	vadd.s32 v1, v4;
	_ =	sdelay $0x3  }
0x3b: {  	s21 =	simm.s32 $0x3100;
	v3 =	vperm.xlane v3, v2  }
0x3c: {  	[tilespmem:s21], [sflag:$0x1] =	stream.indirect_vreg.gather [hbm4b:s1+s5], $0x80, v4, vm0, $0xb8;
	[tilespmem:$0x18100] =	vst v63  }
0x3d: {  	s22 =	simm.s32 $0x3900;
	v3 =	vadd.s32 v1, v3  }
0x3e: {  	[tilespmem:s22], [sflag:$0x1] =	stream.indirect_vreg.gather [hbm4b:s8+s5], $0x80, v4, vm0, $0xb8;
	[tilespmem:$0x18100] =	vst v63  }
0x3f: {  	s21 =	simm.s32 $0x4100  }
0x40: {  	[tilespmem:s21], [sflag:$0x1] =	stream.indirect_vreg.gather [hbm4b:s9+s5], $0x80, v4, vm0, $0xb8;
	[tilespmem:$0x18100] =	vst v63  }
0x41: {  	s22 =	simm.s32 $0x4900  }
0x42: {  	[tilespmem:s22], [sflag:$0x1] =	stream.indirect_vreg.gather [hbm4b:s1+s5], $0x80, v3, vm0, $0xb8;
	[tilespmem:$0x18100] =	vst v63  }
0x43: {  	s21 =	simm.s32 $0x5100  }
0x44: {  	[tilespmem:s21], [sflag:$0x1] =	stream.indirect_vreg.gather [hbm4b:s8+s5], $0x80, v3, vm0, $0xb8;
	[tilespmem:$0x18100] =	vst v63  }
0x45: {  	s22 =	simm.s32 $0x5900  }
0x46: {  	[tilespmem:s22], [sflag:$0x1] =	stream.indirect_vreg.gather [hbm4b:s9+s5], $0x80, v3, vm0, $0xb8;
	[tilespmem:$0x18100] =	vst v63  }
0x47: {  	v3 =	vld [tilespmem:$0x20];
	_ =	sdelay $0x4  }
0x48: {  	v60 =	vshrl.u32 v3, $0x3  }
0x49: {  	v4 =	vmul.u32 $0x30, v60  }
0x4a: {  	v3 =	vand.u32 $0x7, v3  }
0x4b: {  	v3 =	vor.u32 v3, v4  }
0x4c: {  	v4 =	vperm.xlane v3, v0;
	_ =	sdelay $0x1  }
0x4d: {  	v4 =	vadd.s32 v1, v4;
	_ =	sdelay $0x3  }
0x4e: {  	s21 =	simm.s32 $0x6100;
	v3 =	vperm.xlane v3, v2  }
0x4f: {  	[tilespmem:s21], [sflag:$0x1] =	stream.indirect_vreg.gather [hbm4b:s1+s5], $0x80, v4, vm0, $0xb8;
	[tilespmem:$0x18100] =	vst v63  }
0x50: {  	s22 =	simm.s32 $0x6900;
	v3 =	vadd.s32 v1, v3  }
0x51: {  	[tilespmem:s22], [sflag:$0x1] =	stream.indirect_vreg.gather [hbm4b:s8+s5], $0x80, v4, vm0, $0xb8;
	[tilespmem:$0x18100] =	vst v63  }
0x52: {  	s21 =	simm.s32 $0x7100  }
0x53: {  	[tilespmem:s21], [sflag:$0x1] =	stream.indirect_vreg.gather [hbm4b:s9+s5], $0x80, v4, vm0, $0xb8;
	[tilespmem:$0x18100] =	vst v63  }
0x54: {  	s22 =	simm.s32 $0x7900  }
0x55: {  	[tilespmem:s22], [sflag:$0x1] =	stream.indirect_vreg.gather [hbm4b:s1+s5], $0x80, v3, vm0, $0xb8;
	[tilespmem:$0x18100] =	vst v63  }
0x56: {  	s21 =	simm.s32 $0x8100  }
0x57: {  	[tilespmem:s21], [sflag:$0x1] =	stream.indirect_vreg.gather [hbm4b:s8+s5], $0x80, v3, vm0, $0xb8;
	[tilespmem:$0x18100] =	vst v63  }
0x58: {  	s22 =	simm.s32 $0x8900  }
0x59: {  	[tilespmem:s22], [sflag:$0x1] =	stream.indirect_vreg.gather [hbm4b:s9+s5], $0x80, v3, vm0, $0xb8;
	[tilespmem:$0x18100] =	vst v63  }
0x5a: {  	v3 =	vld [tilespmem:$0x30];
	_ =	sdelay $0x4  }
0x5b: {  	v61 =	vshrl.u32 v3, $0x3  }
0x5c: {  	v4 =	vmul.u32 $0x30, v61  }
0x5d: {  	v3 =	vand.u32 $0x7, v3  }
0x5e: {  	v3 =	vor.u32 v3, v4  }
0x5f: {  	v4 =	vperm.xlane v3, v0;
	_ =	sdelay $0x1  }
0x60: {  	v4 =	vadd.s32 v1, v4;
	_ =	sdelay $0x3  }
0x61: {  	s21 =	simm.s32 $0x9100;
	v3 =	vperm.xlane v3, v2  }
0x62: {  	[tilespmem:s21], [sflag:$0x1] =	stream.indirect_vreg.gather [hbm4b:s1+s5], $0x80, v4, vm0, $0xb8;
	[tilespmem:$0x18100] =	vst v63  }
0x63: {  	s22 =	simm.s32 $0x9900;
	v3 =	vadd.s32 v1, v3  }
0x64: {  	[tilespmem:s22], [sflag:$0x1] =	stream.indirect_vreg.gather [hbm4b:s8+s5], $0x80, v4, vm0, $0xb8;
	[tilespmem:$0x18100] =	vst v63  }
0x65: {  	s21 =	simm.s32 $0xA100  }
0x66: {  	[tilespmem:s21], [sflag:$0x1] =	stream.indirect_vreg.gather [hbm4b:s9+s5], $0x80, v4, vm0, $0xb8;
	[tilespmem:$0x18100] =	vst v63  }
0x67: {  	s22 =	simm.s32 $0xA900  }
0x68: {  	[tilespmem:s22], [sflag:$0x1] =	stream.indirect_vreg.gather [hbm4b:s1+s5], $0x80, v3, vm0, $0xb8;
	[tilespmem:$0x18100] =	vst v63  }
0x69: {  	s21 =	simm.s32 $0xB100  }
0x6a: {  	[tilespmem:s21], [sflag:$0x1] =	stream.indirect_vreg.gather [hbm4b:s8+s5], $0x80, v3, vm0, $0xb8;
	[tilespmem:$0x18100] =	vst v63  }
0x6b: {  	s22 =	simm.s32 $0xB900  }
0x6c: {  	[tilespmem:s22], [sflag:$0x1] =	stream.indirect_vreg.gather [hbm4b:s9+s5], $0x80, v3, vm0, $0xb8;
	[tilespmem:$0x18100] =	vst v63  }
0x6d: {  	v3 =	vld [tilespmem:$0x40];
	_ =	sdelay $0x4  }
0x6e: {  	v62 =	vshrl.u32 v3, $0x3  }
0x6f: {  	v4 =	vmul.u32 $0x30, v62  }
0x70: {  	v3 =	vand.u32 $0x7, v3  }
0x71: {  	v3 =	vor.u32 v3, v4  }
0x72: {  	v4 =	vperm.xlane v3, v0;
	_ =	sdelay $0x1  }
0x73: {  	v4 =	vadd.s32 v1, v4;
	_ =	sdelay $0x3  }
0x74: {  	v3 =	vperm.xlane v3, v2  }
0x75: {  	[tilespmem:s16], [sflag:$0x2] =	stream.indirect_vreg.gather [hbm4b:s1+s5], $0x80, v4, vm0, $0xb8;
	[tilespmem:$0x18100] =	vst v63  }
0x76: {  	s21 =	simm.s32 $0xC900;
	v3 =	vadd.s32 v1, v3  }
0x77: {  	[tilespmem:s21], [sflag:$0x2] =	stream.indirect_vreg.gather [hbm4b:s8+s5], $0x80, v4, vm0, $0xb8;
	[tilespmem:$0x18100] =	vst v63  }
0x78: {  	s22 =	simm.s32 $0xD100  }
0x79: {  	[tilespmem:s22], [sflag:$0x2] =	stream.indirect_vreg.gather [hbm4b:s9+s5], $0x80, v4, vm0, $0xb8;
	[tilespmem:$0x18100] =	vst v63  }
0x7a: {  	s21 =	simm.s32 $0xD900  }
0x7b: {  	[tilespmem:s21], [sflag:$0x2] =	stream.indirect_vreg.gather [hbm4b:s1+s5], $0x80, v3, vm0, $0xb8;
	[tilespmem:$0x18100] =	vst v63  }
0x7c: {  	s22 =	simm.s32 $0xE100  }
0x7d: {  	[tilespmem:s22], [sflag:$0x2] =	stream.indirect_vreg.gather [hbm4b:s8+s5], $0x80, v3, vm0, $0xb8;
	[tilespmem:$0x18100] =	vst v63  }
0x7e: {  	s21 =	simm.s32 $0xE900  }
0x7f: {  	[tilespmem:s21], [sflag:$0x2] =	stream.indirect_vreg.gather [hbm4b:s9+s5], $0x80, v3, vm0, $0xb8;
	[tilespmem:$0x18100] =	vst v63  }
0x80: {  	v3 =	vld [tilespmem:$0x50];
	_ =	sdelay $0x4  }
0x81: {  	v63 =	vshrl.u32 v3, $0x3  }
0x82: {  	v4 =	vmul.u32 $0x30, v63  }
0x83: {  	v3 =	vand.u32 $0x7, v3  }
0x84: {  	v3 =	vor.u32 v3, v4  }
0x85: {  	v4 =	vperm.xlane v3, v0;
	_ =	sdelay $0x1  }
0x86: {  	v4 =	vadd.s32 v1, v4;
	_ =	sdelay $0x3  }
0x87: {  	s22 =	simm.s32 $0xF100;
	v3 =	vperm.xlane v3, v2  }
0x88: {  	[tilespmem:s22], [sflag:$0x2] =	stream.indirect_vreg.gather [hbm4b:s1+s5], $0x80, v4, vm0, $0xb8;
	[tilespmem:$0x18100] =	vst v63  }
0x89: {  	v3 =	vadd.s32 v1, v3  }
0x8a: {  	[tilespmem:s23], [sflag:$0x2] =	stream.indirect_vreg.gather [hbm4b:s8+s5], $0x80, v4, vm0, $0xb8;
	[tilespmem:$0x18100] =	vst v63  }
0x8b: {  	_ = 	snop  }
0x8c: {  	[tilespmem:s24], [sflag:$0x2] =	stream.indirect_vreg.gather [hbm4b:s9+s5], $0x80, v4, vm0, $0xb8;
	[tilespmem:$0x18100] =	vst v63  }
0x8d: {  	_ = 	snop  }
0x8e: {  	[tilespmem:s25], [sflag:$0x2] =	stream.indirect_vreg.gather [hbm4b:s1+s5], $0x80, v3, vm0, $0xb8;
	[tilespmem:$0x18100] =	vst v63  }
0x8f: {  	p0 =	por $0x1, $0x1  }
0x90: {  	[tilespmem:s26], [sflag:$0x2] =	stream.indirect_vreg.gather [hbm4b:s8+s5], $0x80, v3, vm0, $0xb8;
	[tilespmem:$0x18100] =	vst v63  }
0x91: {  	s20 =	simm.s32 $0x0;
	s21 =	simm.s32 $0x70;
	s22 =	simm.s32 $0x60  }
0x92: {  	[tilespmem:s28], [sflag:$0x2] =	stream.indirect_vreg.gather [hbm4b:s9+s5], $0x80, v3, vm0, $0xb8;
	[tilespmem:$0x18100] =	vst v63  }
.LBB2_2:
0x93: {  	v3 =	vld [tilespmem:s22+$0x0];
	_ =	sdelay $0x4  }
0x94: {  	v4 =	vshrl.u32 v3, $0x3  }
0x95: {  	v4 =	vmul.u32 $0x30, v4  }
0x96: {  	v3 =	vand.u32 $0x7, v3  }
0x97: {  	v3 =	vor.u32 v3, v4  }
0x98: {  	v4 =	vperm.xlane v3, v0;
	_ =	sdelay $0x1  }
0x99: {  	v4 =	vadd.s32 v1, v4;
	_ =	sdelay $0x3  }
0x9a: {  	v3 =	vperm.xlane v3, v2  }
0x9b: {  	[tilespmem:s29], [sflag:$0x2] =	stream.indirect_vreg.gather [hbm4b:s1+s5], $0x80, v4, vm0, $0xb8;
	[tilespmem:$0x18100] =	vst v63  }
0x9c: {  	v3 =	vadd.s32 v1, v3  }
0x9d: {  	[tilespmem:s30], [sflag:$0x2] =	stream.indirect_vreg.gather [hbm4b:s8+s5], $0x80, v4, vm0, $0xb8;
	[tilespmem:$0x18100] =	vst v63  }
0x9e: {  	_ = 	snop  }
0x9f: {  	[tilespmem:s31], [sflag:$0x2] =	stream.indirect_vreg.gather [hbm4b:s9+s5], $0x80, v4, vm0, $0xb8;
	[tilespmem:$0x18100] =	vst v63  }
0xa0: {  	_ = 	snop  }
0xa1: {  	[tilespmem:s2], [sflag:$0x2] =	stream.indirect_vreg.gather [hbm4b:s1+s5], $0x80, v3, vm0, $0xb8;
	[tilespmem:$0x18100] =	vst v63  }
0xa2: {  	_ = 	snop  }
0xa3: {  	[tilespmem:s0], [sflag:$0x2] =	stream.indirect_vreg.gather [hbm4b:s8+s5], $0x80, v3, vm0, $0xb8;
	[tilespmem:$0x18100] =	vst v63  }
0xa4: {  	_ = 	snop  }
0xa5: {  	[tilespmem:s13], [sflag:$0x2] =	stream.indirect_vreg.gather [hbm4b:s9+s5], $0x80, v3, vm0, $0xb8;
	[tilespmem:$0x18100] =	vst v63  }
0xa6: {  	v3 =	vld [tilespmem:s21+$0x0];
	_ =	sdelay $0x4  }
0xa7: {  	v63 =	vshrl.u32 v3, $0x3  }
0xa8: {  	v4 =	vmul.u32 $0x30, v63  }
0xa9: {  	v3 =	vand.u32 $0x7, v3  }
0xaa: {  	v3 =	vor.u32 v3, v4  }
0xab: {  	v4 =	vperm.xlane v3, v0;
	_ =	sdelay $0x1  }
0xac: {  	v4 =	vadd.s32 v1, v4;
	_ =	sdelay $0x3  }
0xad: {  	v3 =	vperm.xlane v3, v2  }
0xae: {  	[tilespmem:s7], [sflag:$0x2] =	stream.indirect_vreg.gather [hbm4b:s1+s5], $0x80, v4, vm0, $0xb8;
	[tilespmem:$0x18100] =	vst v63  }
0xaf: {  	v3 =	vadd.s32 v1, v3  }
0xb0: {  	[tilespmem:s10], [sflag:$0x2] =	stream.indirect_vreg.gather [hbm4b:s8+s5], $0x80, v4, vm0, $0xb8;
	[tilespmem:$0x18100] =	vst v63  }
0xb1: {  	_ = 	snop  }
0xb2: {  	[tilespmem:s6], [sflag:$0x2] =	stream.indirect_vreg.gather [hbm4b:s9+s5], $0x80, v4, vm0, $0xb8;
	[tilespmem:$0x18100] =	vst v63  }
0xb3: {  	_ = 	snop  }
0xb4: {  	[tilespmem:s15], [sflag:$0x2] =	stream.indirect_vreg.gather [hbm4b:s1+s5], $0x80, v3, vm0, $0xb8;
	[tilespmem:$0x18100] =	vst v63  }
0xb5: {  	_ = 	snop  }
0xb6: {  	[tilespmem:s3], [sflag:$0x2] =	stream.indirect_vreg.gather [hbm4b:s8+s5], $0x80, v3, vm0, $0xb8;
	[tilespmem:$0x18100] =	vst v63  }
0xb7: {  	_ = 	snop  }
0xb8: {  	[tilespmem:s17], [sflag:$0x2] =	stream.indirect_vreg.gather [hbm4b:s9+s5], $0x80, v3, vm0, $0xb8;
	[tilespmem:$0x18100] =	vst v63  }
0xb9: {  	s20 =	sor.u32 s4, s20;
	_ =	swait.ge [sflag:s18], $0xC000  }
0xba: {  	s20 =	sshrl.u32 s20, $0x3;
	[sflag:s18] =	ssyncset.done $0x0  }
0xbb: {  	s20 =	smul.u32 $0x300, s20;
	[sflag:s18] =	ssyncadd.s32 $0xFFFF4000  }
0xbc: {  	s22 =	rddreg [dreg:$0x2]  }
.Ltmp2:
0xbd: {  	s21 =	sadd.s32 s22, s20;
	(pc) =	sbr.rel @!p0 .LBB2_4-.Ltmp2, $4  }
0xbe: {  	[hbm4b:s21+s5] =	stream.linear.scatter [tilespmem:s14], [sflag:$0x3], $0xC000, $0x38;
	[tilespmem:$0x18100] =	vst v63  }
0xbf: {  	_ =	swait.ge [sflag:s12], $0xC000  }
0xc0: {  	[sflag:s12] =	ssyncset.done $0x0  }
0xc1: {  	[sflag:s12] =	ssyncadd.s32 $0xFFFF4000  }
0xc2: {  	v3 =	vld [tilespmem:$0x80];
	_ =	sdelay $0x4  }
0xc3: {  	v4 =	vshrl.u32 v3, $0x3  }
0xc4: {  	v4 =	vmul.u32 $0x30, v4  }
0xc5: {  	v3 =	vand.u32 $0x7, v3  }
0xc6: {  	v3 =	vor.u32 v3, v4  }
0xc7: {  	v4 =	vperm.xlane v3, v0;
	_ =	sdelay $0x1  }
0xc8: {  	v4 =	vadd.s32 v1, v4;
	_ =	sdelay $0x3  }
0xc9: {  	v3 =	vperm.xlane v3, v2  }
0xca: {  	[tilespmem:s14], [sflag:$0x1] =	stream.indirect_vreg.gather [hbm4b:s1+s5], $0x80, v4, vm0, $0xb8;
	[tilespmem:$0x18100] =	vst v63  }
0xcb: {  	s21 =	simm.s32 $0x900;
	v3 =	vadd.s32 v1, v3  }
0xcc: {  	[tilespmem:s21], [sflag:$0x1] =	stream.indirect_vreg.gather [hbm4b:s8+s5], $0x80, v4, vm0, $0xb8;
	[tilespmem:$0x18100] =	vst v63  }
0xcd: {  	s22 =	simm.s32 $0x1100  }
0xce: {  	[tilespmem:s22], [sflag:$0x1] =	stream.indirect_vreg.gather [hbm4b:s9+s5], $0x80, v4, vm0, $0xb8;
	[tilespmem:$0x18100] =	vst v63  }
0xcf: {  	s22 =	simm.s32 $0x1900  }
0xd0: {  	[tilespmem:s22], [sflag:$0x1] =	stream.indirect_vreg.gather [hbm4b:s1+s5], $0x80, v3, vm0, $0xb8;
	[tilespmem:$0x18100] =	vst v63  }
0xd1: {  	s22 =	simm.s32 $0x2100  }
0xd2: {  	[tilespmem:s22], [sflag:$0x1] =	stream.indirect_vreg.gather [hbm4b:s8+s5], $0x80, v3, vm0, $0xb8;
	[tilespmem:$0x18100] =	vst v63  }
0xd3: {  	s22 =	simm.s32 $0x2900  }
0xd4: {  	[tilespmem:s22], [sflag:$0x1] =	stream.indirect_vreg.gather [hbm4b:s9+s5], $0x80, v3, vm0, $0xb8;
	[tilespmem:$0x18100] =	vst v63  }
0xd5: {  	v3 =	vld [tilespmem:$0x90];
	_ =	sdelay $0x4  }
0xd6: {  	v61 =	vshrl.u32 v3, $0x3  }
0xd7: {  	v4 =	vmul.u32 $0x30, v61  }
0xd8: {  	v3 =	vand.u32 $0x7, v3  }
0xd9: {  	v3 =	vor.u32 v3, v4  }
0xda: {  	v4 =	vperm.xlane v3, v0;
	_ =	sdelay $0x1  }
0xdb: {  	v4 =	vadd.s32 v1, v4;
	_ =	sdelay $0x3  }
0xdc: {  	s22 =	simm.s32 $0x3100;
	v3 =	vperm.xlane v3, v2  }
0xdd: {  	[tilespmem:s22], [sflag:$0x1] =	stream.indirect_vreg.gather [hbm4b:s1+s5], $0x80, v4, vm0, $0xb8;
	[tilespmem:$0x18100] =	vst v63  }
0xde: {  	v3 =	vadd.s32 v1, v3;
	s22 =	simm.s32 $0x3900  }
0xdf: {  	[tilespmem:s22], [sflag:$0x1] =	stream.indirect_vreg.gather [hbm4b:s8+s5], $0x80, v4, vm0, $0xb8;
	[tilespmem:$0x18100] =	vst v63  }
0xe0: {  	s22 =	simm.s32 $0x4100  }
0xe1: {  	[tilespmem:s22], [sflag:$0x1] =	stream.indirect_vreg.gather [hbm4b:s9+s5], $0x80, v4, vm0, $0xb8;
	[tilespmem:$0x18100] =	vst v63  }
0xe2: {  	s22 =	simm.s32 $0x4900  }
0xe3: {  	[tilespmem:s22], [sflag:$0x1] =	stream.indirect_vreg.gather [hbm4b:s1+s5], $0x80, v3, vm0, $0xb8;
	[tilespmem:$0x18100] =	vst v63  }
0xe4: {  	s22 =	simm.s32 $0x5100  }
0xe5: {  	[tilespmem:s22], [sflag:$0x1] =	stream.indirect_vreg.gather [hbm4b:s8+s5], $0x80, v3, vm0, $0xb8;
	[tilespmem:$0x18100] =	vst v63  }
0xe6: {  	s22 =	simm.s32 $0x5900  }
0xe7: {  	[tilespmem:s22], [sflag:$0x1] =	stream.indirect_vreg.gather [hbm4b:s9+s5], $0x80, v3, vm0, $0xb8;
	[tilespmem:$0x18100] =	vst v63  }
0xe8: {  	v3 =	vld [tilespmem:$0xA0];
	_ =	sdelay $0x4  }
0xe9: {  	v62 =	vshrl.u32 v3, $0x3  }
0xea: {  	v4 =	vmul.u32 $0x30, v62  }
0xeb: {  	v3 =	vand.u32 $0x7, v3  }
0xec: {  	v3 =	vor.u32 v3, v4  }
0xed: {  	v4 =	vperm.xlane v3, v0;
	_ =	sdelay $0x1  }
0xee: {  	v4 =	vadd.s32 v1, v4;
	_ =	sdelay $0x3  }
0xef: {  	s22 =	simm.s32 $0x6100;
	v3 =	vperm.xlane v3, v2  }
0xf0: {  	[tilespmem:s22], [sflag:$0x1] =	stream.indirect_vreg.gather [hbm4b:s1+s5], $0x80, v4, vm0, $0xb8;
	[tilespmem:$0x18100] =	vst v63  }
0xf1: {  	v3 =	vadd.s32 v1, v3;
	s22 =	simm.s32 $0x6900  }
0xf2: {  	[tilespmem:s22], [sflag:$0x1] =	stream.indirect_vreg.gather [hbm4b:s8+s5], $0x80, v4, vm0, $0xb8;
	[tilespmem:$0x18100] =	vst v63  }
0xf3: {  	s22 =	simm.s32 $0x7100  }
0xf4: {  	[tilespmem:s22], [sflag:$0x1] =	stream.indirect_vreg.gather [hbm4b:s9+s5], $0x80, v4, vm0, $0xb8;
	[tilespmem:$0x18100] =	vst v63  }
0xf5: {  	s22 =	simm.s32 $0x7900  }
0xf6: {  	[tilespmem:s22], [sflag:$0x1] =	stream.indirect_vreg.gather [hbm4b:s1+s5], $0x80, v3, vm0, $0xb8;
	[tilespmem:$0x18100] =	vst v63  }
0xf7: {  	s22 =	simm.s32 $0x8100  }
0xf8: {  	[tilespmem:s22], [sflag:$0x1] =	stream.indirect_vreg.gather [hbm4b:s8+s5], $0x80, v3, vm0, $0xb8;
	[tilespmem:$0x18100] =	vst v63  }
0xf9: {  	s22 =	simm.s32 $0x8900  }
0xfa: {  	[tilespmem:s22], [sflag:$0x1] =	stream.indirect_vreg.gather [hbm4b:s9+s5], $0x80, v3, vm0, $0xb8;
	[tilespmem:$0x18100] =	vst v63  }
0xfb: {  	v3 =	vld [tilespmem:$0xB0];
	_ =	sdelay $0x4  }
0xfc: {  	v63 =	vshrl.u32 v3, $0x3  }
0xfd: {  	v4 =	vmul.u32 $0x30, v63  }
0xfe: {  	v3 =	vand.u32 $0x7, v3  }
0xff: {  	v3 =	vor.u32 v3, v4  }
0x100: {  	v4 =	vperm.xlane v3, v0;
	_ =	sdelay $0x1  }
0x101: {  	v4 =	vadd.s32 v1, v4;
	_ =	sdelay $0x3  }
0x102: {  	s22 =	simm.s32 $0x9100;
	v3 =	vperm.xlane v3, v2  }
0x103: {  	[tilespmem:s22], [sflag:$0x1] =	stream.indirect_vreg.gather [hbm4b:s1+s5], $0x80, v4, vm0, $0xb8;
	[tilespmem:$0x18100] =	vst v63  }
0x104: {  	v3 =	vadd.s32 v1, v3;
	s22 =	simm.s32 $0x9900  }
0x105: {  	[tilespmem:s22], [sflag:$0x1] =	stream.indirect_vreg.gather [hbm4b:s8+s5], $0x80, v4, vm0, $0xb8;
	[tilespmem:$0x18100] =	vst v63  }
0x106: {  	s22 =	simm.s32 $0xA100  }
0x107: {  	[tilespmem:s22], [sflag:$0x1] =	stream.indirect_vreg.gather [hbm4b:s9+s5], $0x80, v4, vm0, $0xb8;
	[tilespmem:$0x18100] =	vst v63  }
0x108: {  	s22 =	simm.s32 $0xA900  }
0x109: {  	[tilespmem:s22], [sflag:$0x1] =	stream.indirect_vreg.gather [hbm4b:s1+s5], $0x80, v3, vm0, $0xb8;
	[tilespmem:$0x18100] =	vst v63  }
0x10a: {  	s22 =	simm.s32 $0xB100  }
0x10b: {  	[tilespmem:s22], [sflag:$0x1] =	stream.indirect_vreg.gather [hbm4b:s8+s5], $0x80, v3, vm0, $0xb8;
	[tilespmem:$0x18100] =	vst v63  }
0x10c: {  	s22 =	simm.s32 $0xB900  }
0x10d: {  	[tilespmem:s22], [sflag:$0x1] =	stream.indirect_vreg.gather [hbm4b:s9+s5], $0x80, v3, vm0, $0xb8;
	[tilespmem:$0x18100] =	vst v63  }
.LBB2_4:
0x10e: {  	_ =	swait.ge [sflag:s19], $0xC000  }
0x10f: {  	[sflag:s19] =	ssyncset.done $0x0  }
.Ltmp3:
0x110: {  	s20 =	sadd.s32 s11, s20;
	[sflag:s19] =	ssyncadd.s32 $0xFFFF4000;
	(pc) =	sbr.rel @!p0 .LBB2_6-.Ltmp3, $4  }
0x111: {  	[hbm4b:s20+s5] =	stream.linear.scatter [tilespmem:s16], [sflag:$0x3], $0xC000, $0x38;
	[tilespmem:$0x18100] =	vst v63  }
0x112: {  	_ =	swait.ge [sflag:s12], $0xC000  }
0x113: {  	[sflag:s12] =	ssyncset.done $0x0  }
0x114: {  	[sflag:s12] =	ssyncadd.s32 $0xFFFF4000  }
0x115: {  	v3 =	vld [tilespmem:$0xC0];
	_ =	sdelay $0x4  }
0x116: {  	v4 =	vshrl.u32 v3, $0x3  }
0x117: {  	v4 =	vmul.u32 $0x30, v4  }
0x118: {  	v3 =	vand.u32 $0x7, v3  }
0x119: {  	v3 =	vor.u32 v3, v4  }
0x11a: {  	v4 =	vperm.xlane v3, v0;
	_ =	sdelay $0x1  }
0x11b: {  	v4 =	vadd.s32 v1, v4;
	_ =	sdelay $0x3  }
0x11c: {  	v3 =	vperm.xlane v3, v2  }
0x11d: {  	[tilespmem:s16], [sflag:$0x2] =	stream.indirect_vreg.gather [hbm4b:s1+s5], $0x80, v4, vm0, $0xb8;
	[tilespmem:$0x18100] =	vst v63  }
0x11e: {  	s20 =	simm.s32 $0xC900;
	v3 =	vadd.s32 v1, v3  }
0x11f: {  	[tilespmem:s20], [sflag:$0x2] =	stream.indirect_vreg.gather [hbm4b:s8+s5], $0x80, v4, vm0, $0xb8;
	[tilespmem:$0x18100] =	vst v63  }
0x120: {  	s22 =	simm.s32 $0xD100  }
0x121: {  	[tilespmem:s22], [sflag:$0x2] =	stream.indirect_vreg.gather [hbm4b:s9+s5], $0x80, v4, vm0, $0xb8;
	[tilespmem:$0x18100] =	vst v63  }
0x122: {  	s21 =	simm.s32 $0xD900  }
0x123: {  	[tilespmem:s21], [sflag:$0x2] =	stream.indirect_vreg.gather [hbm4b:s1+s5], $0x80, v3, vm0, $0xb8;
	[tilespmem:$0x18100] =	vst v63  }
0x124: {  	s22 =	simm.s32 $0xE100  }
0x125: {  	[tilespmem:s22], [sflag:$0x2] =	stream.indirect_vreg.gather [hbm4b:s8+s5], $0x80, v3, vm0, $0xb8;
	[tilespmem:$0x18100] =	vst v63  }
0x126: {  	s21 =	simm.s32 $0xE900  }
0x127: {  	[tilespmem:s21], [sflag:$0x2] =	stream.indirect_vreg.gather [hbm4b:s9+s5], $0x80, v3, vm0, $0xb8;
	[tilespmem:$0x18100] =	vst v63  }
0x128: {  	v3 =	vld [tilespmem:$0xD0];
	_ =	sdelay $0x4  }
0x129: {  	v63 =	vshrl.u32 v3, $0x3  }
0x12a: {  	v4 =	vmul.u32 $0x30, v63  }
0x12b: {  	v3 =	vand.u32 $0x7, v3  }
0x12c: {  	v3 =	vor.u32 v3, v4  }
0x12d: {  	v4 =	vperm.xlane v3, v0;
	_ =	sdelay $0x1  }
0x12e: {  	v4 =	vadd.s32 v1, v4;
	_ =	sdelay $0x3  }
0x12f: {  	s22 =	simm.s32 $0xF100;
	v3 =	vperm.xlane v3, v2  }
0x130: {  	[tilespmem:s22], [sflag:$0x2] =	stream.indirect_vreg.gather [hbm4b:s1+s5], $0x80, v4, vm0, $0xb8;
	[tilespmem:$0x18100] =	vst v63  }
0x131: {  	v3 =	vadd.s32 v1, v3  }
0x132: {  	[tilespmem:s23], [sflag:$0x2] =	stream.indirect_vreg.gather [hbm4b:s8+s5], $0x80, v4, vm0, $0xb8;
	[tilespmem:$0x18100] =	vst v63  }
0x133: {  	_ = 	snop  }
0x134: {  	[tilespmem:s24], [sflag:$0x2] =	stream.indirect_vreg.gather [hbm4b:s9+s5], $0x80, v4, vm0, $0xb8;
	[tilespmem:$0x18100] =	vst v63  }
0x135: {  	_ = 	snop  }
0x136: {  	[tilespmem:s25], [sflag:$0x2] =	stream.indirect_vreg.gather [hbm4b:s1+s5], $0x80, v3, vm0, $0xb8;
	[tilespmem:$0x18100] =	vst v63  }
.Ltmp4:
0x137: {  	_ = 	snop;
	(pc) =	sbr.rel .LBB2_2-.Ltmp4, $4  }
0x138: {  	p0 =	por $0x0, $0x0  }
0x139: {  	[tilespmem:s26], [sflag:$0x2] =	stream.indirect_vreg.gather [hbm4b:s8+s5], $0x80, v3, vm0, $0xb8;
	[tilespmem:$0x18100] =	vst v63  }
0x13a: {  	s20 =	simm.s32 $0x80;
	s21 =	simm.s32 $0xF0;
	s22 =	simm.s32 $0xE0  }
0x13b: {  	[tilespmem:s28], [sflag:$0x2] =	stream.indirect_vreg.gather [hbm4b:s9+s5], $0x80, v3, vm0, $0xb8;
	[tilespmem:$0x18100] =	vst v63  }
.LBB2_7:
0x13c: {  	_ =	sfence.sel $0x180000  }
0x13d: {  	[bflag:$0x0] =	sbarrier.arrive $0xFFFF  }
0x13e: {  	_ =	strace $0x90000047  }
0x13f: {  	s0 =	stileid.u32;
	[bflag:$0x2] =	sbarrier.arrive $0xFFFF  }
0x140: {  	p0 =	sne.s32 s0, $0x0;
	s0 =	rddreg [dreg:$0x3]  }
0x141: {  	s0 =	sadd.s32 @!p0 $0x100000, s0  }
0x142: {  	[sflag:s0] =	ssyncadd.tile.s32 @!p0 $0x1;
	_ =	shalt  }
.Lfunc_end2:
_tile_overlayer_lowered:
.L_overlay_start_2:
0x143: {  	(tag) =	ssettag $0x2  }
0x144: {  	s0 =	rddreg [dreg:$0x0];
	s2 =	stileid.u32  }
0x145: {  	s1 =	rddreg [dreg:$0x1];
	p0 =	sne.s32 s2, $0x0  }
0x146: {  	s3 =	rddreg [dreg:$0x2];
	[bflag:$0x3] =	sbarrier.arrive $0xFFFF;
	s2 =	simm.s32 @!p0 $0x1C03  }
0x147: {  	[timem:s3], [sflag:s2] =	dma.local @!p0 [hbm:s0], s1  }
0x148: {  	s0 =	simm.s32 @!p0 $0x3  }
0x149: {  	_ =	swait.ge @!p0 [sflag:s0], s1  }
0x14a: {  	s1 =	ssub.s32 @!p0 $0x0, s1;
	[sflag:s0] =	ssyncset.done @!p0 $0x0  }
0x14b: {  	[sflag:s0] =	ssyncadd.s32 @!p0 s1  }
0x14c: {  	[bflag:$0x3] =	sbarrier.arrive $0xFFFF  }
0x14d: {  	_ =	shalt  }

</sc_bundles>
